<compile_context>
chip_gen: v7x
topology: tpu7x:2x2x1
jax: 0.10.2.dev20260603
libtpu: 0.0.44.dev20260713+nightly
codegen_flags: <defaults>
</compile_context>

<pallas_src>
import jax
import jax.numpy as jnp
from jax.experimental import pallas as pl
from jax.experimental.pallas import tpu as pltpu

_NEG = float(-jnp.finfo(jnp.bfloat16).max)


def _router_body(logits_ref, gates_ref, pre_ref, mask_ref, rw_ref):
    logits = logits_ref[...]
    gates = gates_ref[...]
    e = logits.shape[1]

    pre = logits - jax.nn.sigmoid(gates)
    gated = jnp.maximum(pre, 0.0)
    amask = (gated > 0.0).astype(jnp.float32)
    num_active = jnp.sum(amask, axis=1, keepdims=True)

    vk = logits[:, None, :]
    vj = logits[:, :, None]
    kk = jax.lax.broadcasted_iota(jnp.int32, (1, e, e), 2)
    jj = jax.lax.broadcasted_iota(jnp.int32, (1, e, e), 1)
    beats = (vk > vj) | ((vk == vj) & (kk < jj))
    rank = jnp.sum(beats.astype(jnp.float32), axis=2)
    fb = (rank < (e // 2)).astype(jnp.float32)

    mask = jnp.where(num_active == 0.0, fb, amask)
    gm = jnp.where(mask > 0.0, gated, _NEG)
    gmax = jnp.max(gm, axis=1, keepdims=True)
    ex = jnp.exp(gm - gmax)
    rw = ex / jnp.sum(ex, axis=1, keepdims=True)

    pre_ref[...] = pre
    mask_ref[...] = mask
    rw_ref[...] = rw


def _expert_body(x_ref, w1_ref, w2_ref, mask_ref, rw_ref, fuo_ref, fin_ref):
    e_idx = pl.program_id(1)
    n_exp = mask_ref.shape[1]

    xb = x_ref[...].astype(jnp.bfloat16)
    w1 = w1_ref[0].astype(jnp.bfloat16)
    w2 = w2_ref[0].astype(jnp.bfloat16)

    h = jax.lax.dot_general(
        xb, w1, (((1,), (1,)), ((), ())),
        preferred_element_type=jnp.float32)
    a = 0.5 * h * (1.0 + jax.lax.erf(h * 0.7071067811865476))
    o = jax.lax.dot_general(
        a.astype(jnp.bfloat16), w2, (((1,), (1,)), ((), ())),
        preferred_element_type=jnp.float32)

    onehot = (jax.lax.broadcasted_iota(jnp.int32, (1, n_exp), 1) == e_idx
              ).astype(jnp.float32)
    m = jnp.sum(mask_ref[...] * onehot, axis=1, keepdims=True)
    r = jnp.sum(rw_ref[...] * onehot, axis=1, keepdims=True)

    fuo = m * o
    fuo_ref[...] = fuo
    contrib = r * fuo

    @pl.when(e_idx == 0)
    def _init():
        fin_ref[...] = contrib

    @pl.when(e_idx > 0)
    def _acc():
        fin_ref[...] += contrib


def kernel(hidden_states, sim_matrix, gates, W1, W2):
    x = hidden_states
    t, c = x.shape
    e = sim_matrix.shape[1]
    i = W1.shape[1]

    xnorm = jnp.linalg.norm(x, axis=-1, keepdims=True)
    snorm = jnp.linalg.norm(sim_matrix, axis=0, keepdims=True)
    logits = (x / jnp.maximum(xnorm, 1e-12)) @ (sim_matrix / jnp.maximum(snorm, 1e-12))

    bt_r = 512
    pre, mask, rw = pl.pallas_call(
        _router_body,
        grid=(t // bt_r,),
        in_specs=[
            pl.BlockSpec((bt_r, e), lambda ti: (ti, 0)),
            pl.BlockSpec((1, e), lambda ti: (0, 0)),
        ],
        out_specs=[
            pl.BlockSpec((bt_r, e), lambda ti: (ti, 0)),
            pl.BlockSpec((bt_r, e), lambda ti: (ti, 0)),
            pl.BlockSpec((bt_r, e), lambda ti: (ti, 0)),
        ],
        out_shape=[
            jax.ShapeDtypeStruct((t, e), jnp.float32),
            jax.ShapeDtypeStruct((t, e), jnp.float32),
            jax.ShapeDtypeStruct((t, e), jnp.float32),
        ],
    )(logits, gates.reshape(1, e))

    bt = 1024
    fuo, fin = pl.pallas_call(
        _expert_body,
        grid=(t // bt, e),
        in_specs=[
            pl.BlockSpec((bt, c), lambda ti, ei: (ti, 0)),
            pl.BlockSpec((1, i, c), lambda ti, ei: (ei, 0, 0)),
            pl.BlockSpec((1, c, i), lambda ti, ei: (ei, 0, 0)),
            pl.BlockSpec((bt, e), lambda ti, ei: (ti, 0)),
            pl.BlockSpec((bt, e), lambda ti, ei: (ti, 0)),
        ],
        out_specs=[
            pl.BlockSpec((bt, c), lambda ti, ei: (ti, ei)),
            pl.BlockSpec((bt, c), lambda ti, ei: (ti, 0)),
        ],
        out_shape=[
            jax.ShapeDtypeStruct((t, e * c), jnp.float32),
            jax.ShapeDtypeStruct((t, c), jnp.float32),
        ],
        compiler_params=pltpu.CompilerParams(
            dimension_semantics=("arbitrary", "arbitrary")),
    )(x, W1, W2, mask, rw)

    return (fin, fuo.reshape(t, e, c), pre, mask)

# --- scband reference (transcript-rebuilt; emitter-appended) ---
"""Pipeline reference for scband-dynamic-mo-elayer-63608465653850 (READ-ONLY COPY).

The authoritative reference and input builder live on the scoring server;
editing this copy changes nothing except your own understanding.
"""

import jax, jax.numpy as jnp
import numpy as np

T, C, E, I = 2048, 1024, 8, 512


def _normalize(v, axis):
    n = jnp.linalg.norm(v, axis=axis, keepdims=True)
    return v / jnp.maximum(n, 1e-12)


def setup_inputs(seed: int = 0) -> dict:
    key = jax.random.key(seed)
    k1, k2, k3, k4 = jax.random.split(key, 4)
    hidden_states = jax.random.normal(k1, (T, C), dtype=jnp.float32)
    sim_matrix = jax.random.normal(k2, (C, E), dtype=jnp.float32)
    gates = jnp.zeros((E,), dtype=jnp.float32)
    # Expert weights: w1 is Linear(C, I) -> weight [I, C]; w2 is Linear(I, C) -> weight [C, I]
    W1 = jax.random.normal(k3, (E, I, C), dtype=jnp.float32) * (C ** -0.5)
    W2 = jax.random.normal(k4, (E, C, I), dtype=jnp.float32) * (I ** -0.5)
    return {"hidden_states": hidden_states, "sim_matrix": sim_matrix, "gates": gates, "W1": W1, "W2": W2}


def reference(hidden_states, sim_matrix, gates, W1, W2):
    x = hidden_states
    n_tok = x.shape[0]
    n_exp = sim_matrix.shape[1]
    # DynamicGate
    logits = _normalize(x, -1) @ _normalize(sim_matrix, 0)          # [T, E]
    gate_thresholds = jax.nn.sigmoid(gates)
    pre_activation_logits = logits - gate_thresholds
    gated_logits = jax.nn.relu(pre_activation_logits)
    activation_mask = (gated_logits > 0).astype(x.dtype)
    num_active = jnp.sum(activation_mask, axis=1)
    inactive = num_active == 0
    k_fb = n_exp // 2
    _, topk_idx = jax.lax.top_k(logits, k_fb)                        # [T, k_fb]
    fb_mask = jnp.zeros_like(activation_mask).at[jnp.arange(n_tok)[:, None], topk_idx].set(1.0)
    activation_mask = jnp.where(inactive[:, None], fb_mask, activation_mask)
    # mask is used only for indexing/selection in torch -> no gradient through it
    activation_mask = jax.lax.stop_gradient(activation_mask)
    neg = jnp.asarray(-jnp.finfo(jnp.bfloat16).max, dtype=x.dtype)
    gated_masked = jnp.where(activation_mask > 0, gated_logits, neg)
    routing_weights = jax.nn.softmax(gated_masked, axis=-1)
    # Experts: dense compute over all experts, then masked to match sparse dispatch result
    h = jnp.einsum('tc,eic->tei', x, W1)                             # [T, E, I]
    a = jax.nn.gelu(h, approximate=False)
    o = jnp.einsum('tei,eci->tec', a, W2)                            # [T, E, C]
    full_expert_outputs = activation_mask[:, :, None] * o
    final_output = jnp.einsum('te,tec->tc', routing_weights, full_expert_outputs)
    return (final_output, full_expert_outputs, pre_activation_logits, activation_mask)

if __name__ == "__main__":
    import jax
    _d = setup_inputs()
    print(jax.jit(kernel)(*tuple(_d.values())))

</pallas_src>

<mosaic_0001>
module attributes {stable_mosaic.version = 14 : i64} {
  func.func @_router_body(%arg0: i32, %arg1: memref<512x8xf32, #tpu.memory_space<vmem>>, %arg2: memref<1x8xf32, #tpu.memory_space<vmem>>, %arg3: memref<512x8xf32, #tpu.memory_space<vmem>>, %arg4: memref<512x8xf32, #tpu.memory_space<vmem>>, %arg5: memref<512x8xf32, #tpu.memory_space<vmem>>) attributes {dimension_semantics = [#tpu.dimension_semantics<arbitrary>], iteration_bounds = array<i64: 4>, scalar_prefetch = 0 : i64, scratch_operands = 0 : i64, tpu.core_type = #tpu.core_type<tc>, window_params = [{transform_indices = @transform_0, window_bounds = array<i64: 512, 8>}, {pipeline_mode = #tpu.pipeline_mode<synchronous>, transform_indices = @transform_1, window_bounds = array<i64: 1, 8>}, {transform_indices = @transform_2, window_bounds = array<i64: 512, 8>}, {transform_indices = @transform_3, window_bounds = array<i64: 512, 8>}, {transform_indices = @transform_4, window_bounds = array<i64: 512, 8>}]} {
    %get3A = arith.constant 0 : index
    %get3A_0 = arith.constant 0 : index
    %get3A_1 = vector.load %arg1[%get3A, %get3A_0] : memref<512x8xf32, #tpu.memory_space<vmem>>, vector<512x8xf32>
    %get3A_2 = arith.constant 0 : index
    %get3A_3 = arith.constant 0 : index
    %get3A_4 = vector.load %arg2[%get3A_2, %get3A_3] : memref<1x8xf32, #tpu.memory_space<vmem>>, vector<1x8xf32>
    %logistic3A = arith.negf %get3A_4 : vector<1x8xf32>
    %logistic3A_5 = math.exp %logistic3A : vector<1x8xf32>
    %logistic3A_6 = arith.constant 1.000000e+00 : f32
    %logistic3A_7 = vector.broadcast %logistic3A_6 : f32 to vector<1x8xf32>
    %logistic3A_8 = arith.addf %logistic3A_7, %logistic3A_5 : vector<1x8xf32>
    %logistic3A_9 = arith.divf %logistic3A_7, %logistic3A_8 : vector<1x8xf32>
    %sub3A = vector.broadcast %logistic3A_9 : vector<1x8xf32> to vector<512x8xf32>
    %sub3A_10 = arith.subf %get3A_1, %sub3A : vector<512x8xf32>
    %max3A = arith.constant 0.000000e+00 : f32
    %max3A_11 = vector.broadcast %max3A : f32 to vector<512x8xf32>
    %max3A_12 = arith.maximumf %sub3A_10, %max3A_11 : vector<512x8xf32>
    %gt3A = arith.constant 0.000000e+00 : f32
    %gt3A_13 = vector.broadcast %gt3A : f32 to vector<512x8xf32>
    %gt3A_14 = arith.cmpf ogt, %max3A_12, %gt3A_13 : vector<512x8xf32>
    %convert_element_type3A = arith.extui %gt3A_14 : vector<512x8xi1> to vector<512x8xi32>
    %convert_element_type3A_15 = arith.sitofp %convert_element_type3A : vector<512x8xi32> to vector<512x8xf32>
    %reduce_sum3A = arith.constant dense<0.000000e+00> : vector<512xf32>
    %reduce_sum3A_16 = vector.multi_reduction <add>, %convert_element_type3A_15, %reduce_sum3A [1] : vector<512x8xf32> to vector<512xf32>
    %broadcast_in_dim3A = vector.shape_cast %reduce_sum3A_16 : vector<512xf32> to vector<512x1xf32>
    %broadcast_in_dim3A_17 = vector.shape_cast %get3A_1 : vector<512x8xf32> to vector<512x1x8xf32>
    %broadcast_in_dim3A_18 = vector.shape_cast %get3A_1 : vector<512x8xf32> to vector<512x8x1xf32>
    %iota3A = tpu.iota {dimensions = array<i32: 2>} : vector<1x8x8xi32>
    %iota3A_19 = tpu.iota {dimensions = array<i32: 1>} : vector<1x8x8xi32>
    %gt3A_20 = vector.broadcast %broadcast_in_dim3A_17 : vector<512x1x8xf32> to vector<512x8x8xf32>
    %gt3A_21 = vector.broadcast %broadcast_in_dim3A_18 : vector<512x8x1xf32> to vector<512x8x8xf32>
    %gt3A_22 = arith.cmpf ogt, %gt3A_20, %gt3A_21 : vector<512x8x8xf32>
    %eq3A = vector.broadcast %broadcast_in_dim3A_17 : vector<512x1x8xf32> to vector<512x8x8xf32>
    %eq3A_23 = vector.broadcast %broadcast_in_dim3A_18 : vector<512x8x1xf32> to vector<512x8x8xf32>
    %eq3A_24 = arith.cmpf oeq, %eq3A, %eq3A_23 : vector<512x8x8xf32>
    %lt3A = arith.cmpi slt, %iota3A, %iota3A_19 : vector<1x8x8xi32>
    %and3A = vector.broadcast %lt3A : vector<1x8x8xi1> to vector<512x8x8xi1>
    %and3A_25 = arith.andi %eq3A_24, %and3A : vector<512x8x8xi1>
    %or3A = arith.ori %gt3A_22, %and3A_25 : vector<512x8x8xi1>
    %convert_element_type3A_26 = arith.extui %or3A : vector<512x8x8xi1> to vector<512x8x8xi32>
    %convert_element_type3A_27 = arith.sitofp %convert_element_type3A_26 : vector<512x8x8xi32> to vector<512x8x8xf32>
    %reduce_sum3A_28 = arith.constant dense<0.000000e+00> : vector<512x8xf32>
    %reduce_sum3A_29 = vector.multi_reduction <add>, %convert_element_type3A_27, %reduce_sum3A_28 [2] : vector<512x8x8xf32> to vector<512x8xf32>
    %lt3A_30 = arith.constant 4.000000e+00 : f32
    %lt3A_31 = vector.broadcast %lt3A_30 : f32 to vector<512x8xf32>
    %lt3A_32 = arith.cmpf olt, %reduce_sum3A_29, %lt3A_31 : vector<512x8xf32>
    %convert_element_type3A_33 = arith.extui %lt3A_32 : vector<512x8xi1> to vector<512x8xi32>
    %convert_element_type3A_34 = arith.sitofp %convert_element_type3A_33 : vector<512x8xi32> to vector<512x8xf32>
    %eq3A_35 = arith.constant 0.000000e+00 : f32
    %eq3A_36 = vector.broadcast %eq3A_35 : f32 to vector<512x1xf32>
    %eq3A_37 = arith.cmpf oeq, %broadcast_in_dim3A, %eq3A_36 : vector<512x1xf32>
    %broadcast_in_dim3A_38 = vector.shape_cast %eq3A_37 : vector<512x1xi1> to vector<512x1xi1>
    %broadcast_in_dim3A_39 = vector.broadcast %broadcast_in_dim3A_38 : vector<512x1xi1> to vector<512x8xi1>
    %select_n3A = arith.select %broadcast_in_dim3A_39, %convert_element_type3A_34, %convert_element_type3A_15 : vector<512x8xi1>, vector<512x8xf32>
    %gt3A_40 = arith.constant 0.000000e+00 : f32
    %gt3A_41 = vector.broadcast %gt3A_40 : f32 to vector<512x8xf32>
    %gt3A_42 = arith.cmpf ogt, %select_n3A, %gt3A_41 : vector<512x8xf32>
    %jit3A = arith.constant -3.38953139E+38 : f32
    %broadcast_in_dim3A_43 = vector.broadcast %jit3A : f32 to vector<512x8xf32>
    %select_n3A_44 = arith.select %gt3A_42, %max3A_12, %broadcast_in_dim3A_43 : vector<512x8xi1>, vector<512x8xf32>
    %reduce_max3A = arith.constant dense<0xFF800000> : vector<512xf32>
    %reduce_max3A_45 = vector.multi_reduction <maximumf>, %select_n3A_44, %reduce_max3A [1] : vector<512x8xf32> to vector<512xf32>
    %broadcast_in_dim3A_46 = vector.shape_cast %reduce_max3A_45 : vector<512xf32> to vector<512x1xf32>
    %sub3A_47 = vector.broadcast %broadcast_in_dim3A_46 : vector<512x1xf32> to vector<512x8xf32>
    %sub3A_48 = arith.subf %select_n3A_44, %sub3A_47 : vector<512x8xf32>
    %exp3A = math.exp %sub3A_48 : vector<512x8xf32>
    %reduce_sum3A_49 = arith.constant dense<0.000000e+00> : vector<512xf32>
    %reduce_sum3A_50 = vector.multi_reduction <add>, %exp3A, %reduce_sum3A_49 [1] : vector<512x8xf32> to vector<512xf32>
    %broadcast_in_dim3A_51 = vector.shape_cast %reduce_sum3A_50 : vector<512xf32> to vector<512x1xf32>
    %div3A = vector.broadcast %broadcast_in_dim3A_51 : vector<512x1xf32> to vector<512x8xf32>
    %div3A_52 = arith.divf %exp3A, %div3A : vector<512x8xf32>
    %swap3A = arith.constant 0 : index
    %swap3A_53 = arith.constant 0 : index
    %swap3A_54 = vector.load %arg3[%swap3A, %swap3A_53] : memref<512x8xf32, #tpu.memory_space<vmem>>, vector<512x8xf32>
    tpu.vector_store %arg3[%swap3A, %swap3A_53], %sub3A_10 {strides = array<i32>} : memref<512x8xf32, #tpu.memory_space<vmem>>, vector<512x8xf32>,
    %swap3A_55 = arith.constant 0 : index
    %swap3A_56 = arith.constant 0 : index
    %swap3A_57 = vector.load %arg4[%swap3A_55, %swap3A_56] : memref<512x8xf32, #tpu.memory_space<vmem>>, vector<512x8xf32>
    tpu.vector_store %arg4[%swap3A_55, %swap3A_56], %select_n3A {strides = array<i32>} : memref<512x8xf32, #tpu.memory_space<vmem>>, vector<512x8xf32>,
    %swap3A_58 = arith.constant 0 : index
    %swap3A_59 = arith.constant 0 : index
    %swap3A_60 = vector.load %arg5[%swap3A_58, %swap3A_59] : memref<512x8xf32, #tpu.memory_space<vmem>>, vector<512x8xf32>
    tpu.vector_store %arg5[%swap3A_58, %swap3A_59], %div3A_52 {strides = array<i32>} : memref<512x8xf32, #tpu.memory_space<vmem>>, vector<512x8xf32>,
    return
  }
  func.func @transform_0(%arg0: i32) -> (i32, i32) {
    %c0_i32 = arith.constant 0 : i32
    %c0_i32_0 = arith.constant 0 : i32
    return %arg0, %c0_i32 : i32, i32
  }
  func.func @transform_1(%arg0: i32) -> (i32, i32) {
    %c0_i32 = arith.constant 0 : i32
    %c0_i32_0 = arith.constant 0 : i32
    %c0_i32_1 = arith.constant 0 : i32
    return %c0_i32, %c0_i32_0 : i32, i32
  }
  func.func @transform_2(%arg0: i32) -> (i32, i32) {
    %c0_i32 = arith.constant 0 : i32
    %c0_i32_0 = arith.constant 0 : i32
    return %arg0, %c0_i32 : i32, i32
  }
  func.func @transform_3(%arg0: i32) -> (i32, i32) {
    %c0_i32 = arith.constant 0 : i32
    %c0_i32_0 = arith.constant 0 : i32
    return %arg0, %c0_i32 : i32, i32
  }
  func.func @transform_4(%arg0: i32) -> (i32, i32) {
    %c0_i32 = arith.constant 0 : i32
    %c0_i32_0 = arith.constant 0 : i32
    return %arg0, %c0_i32 : i32, i32
  }
}

module attributes {stable_mosaic.version = 14 : i64} {
  func.func @_expert_body(%arg0: i32, %arg1: i32, %arg2: memref<1024x1024xf32, #tpu.memory_space<vmem>>, %arg3: memref<1x512x1024xf32, #tpu.memory_space<vmem>>, %arg4: memref<1x1024x512xf32, #tpu.memory_space<vmem>>, %arg5: memref<1024x8xf32, #tpu.memory_space<vmem>>, %arg6: memref<1024x8xf32, #tpu.memory_space<vmem>>, %arg7: memref<1024x1024xf32, #tpu.memory_space<vmem>>, %arg8: memref<1024x1024xf32, #tpu.memory_space<vmem>>) attributes {dimension_semantics = [#tpu.dimension_semantics<arbitrary>, #tpu.dimension_semantics<arbitrary>], iteration_bounds = array<i64: 2, 8>, scalar_prefetch = 0 : i64, scratch_operands = 0 : i64, tpu.core_type = #tpu.core_type<tc>, window_params = [{transform_indices = @transform_0, window_bounds = array<i64: 1024, 1024>}, {transform_indices = @transform_1, window_bounds = array<i64: 1, 512, 1024>}, {transform_indices = @transform_2, window_bounds = array<i64: 1, 1024, 512>}, {transform_indices = @transform_3, window_bounds = array<i64: 1024, 8>}, {transform_indices = @transform_4, window_bounds = array<i64: 1024, 8>}, {transform_indices = @transform_5, window_bounds = array<i64: 1024, 1024>}, {transform_indices = @transform_6, window_bounds = array<i64: 1024, 1024>}]} {
    %get3A = arith.constant 0 : index
    %get3A_0 = arith.constant 0 : index
    %get3A_1 = vector.load %arg2[%get3A, %get3A_0] : memref<1024x1024xf32, #tpu.memory_space<vmem>>, vector<1024x1024xf32>
    %convert_element_type3A = arith.truncf %get3A_1 : vector<1024x1024xf32> to vector<1024x1024xbf16>
    %get3A_2 = arith.constant 0 : index
    %get3A_3 = arith.constant 0 : index
    %get3A_4 = arith.constant 0 : index
    %get3A_5 = vector.load %arg3[%get3A_2, %get3A_3, %get3A_4] : memref<1x512x1024xf32, #tpu.memory_space<vmem>>, vector<1x512x1024xf32>
    %get3A_6 = vector.shape_cast %get3A_5 : vector<1x512x1024xf32> to vector<512x1024xf32>
    %convert_element_type3A_7 = arith.truncf %get3A_6 : vector<512x1024xf32> to vector<512x1024xbf16>
    %get3A_8 = arith.constant 0 : index
    %get3A_9 = arith.constant 0 : index
    %get3A_10 = arith.constant 0 : index
    %get3A_11 = vector.load %arg4[%get3A_8, %get3A_9, %get3A_10] : memref<1x1024x512xf32, #tpu.memory_space<vmem>>, vector<1x1024x512xf32>
    %get3A_12 = vector.shape_cast %get3A_11 : vector<1x1024x512xf32> to vector<1024x512xf32>
    %convert_element_type3A_13 = arith.truncf %get3A_12 : vector<1024x512xf32> to vector<1024x512xbf16>
    %dot_general3A = arith.constant dense<0.000000e+00> : vector<1024x512xf32>
    %dot_general3A_14 = tpu.matmul %convert_element_type3A, %convert_element_type3A_7, %dot_general3A {dimension_numbers = #tpu.dot_dimension_numbers<[1], [1], [0], [0], [0, 0, 1, 0], [], []>, transpose_lhs_hint = false} : vector<1024x1024xbf16>, vector<512x1024xbf16>, vector<1024x512xf32> -> vector<1024x512xf32>
    %mul3A = arith.constant 5.000000e-01 : f32
    %mul3A_15 = vector.broadcast %mul3A : f32 to vector<1024x512xf32>
    %mul3A_16 = arith.mulf %mul3A_15, %dot_general3A_14 : vector<1024x512xf32>
    %mul3A_17 = arith.constant 0.707106769 : f32
    %mul3A_18 = vector.broadcast %mul3A_17 : f32 to vector<1024x512xf32>
    %mul3A_19 = arith.mulf %dot_general3A_14, %mul3A_18 : vector<1024x512xf32>
    %erf3A = math.erf %mul3A_19 : vector<1024x512xf32>
    %add3A = arith.constant 1.000000e+00 : f32
    %add3A_20 = vector.broadcast %add3A : f32 to vector<1024x512xf32>
    %add3A_21 = arith.addf %add3A_20, %erf3A : vector<1024x512xf32>
    %mul3A_22 = arith.mulf %mul3A_16, %add3A_21 : vector<1024x512xf32>
    %convert_element_type3A_23 = arith.truncf %mul3A_22 : vector<1024x512xf32> to vector<1024x512xbf16>
    %dot_general3A_24 = arith.constant dense<0.000000e+00> : vector<1024x1024xf32>
    %dot_general3A_25 = tpu.matmul %convert_element_type3A_23, %convert_element_type3A_13, %dot_general3A_24 {dimension_numbers = #tpu.dot_dimension_numbers<[1], [1], [0], [0], [0, 0, 1, 0], [], []>, transpose_lhs_hint = false} : vector<1024x512xbf16>, vector<1024x512xbf16>, vector<1024x1024xf32> -> vector<1024x1024xf32>
    %iota3A = tpu.iota {dimensions = array<i32: 1>} : vector<1x8xi32>
    %eq3A = vector.broadcast %arg1 : i32 to vector<1x8xi32>
    %eq3A_26 = arith.cmpi eq, %iota3A, %eq3A : vector<1x8xi32>
    %convert_element_type3A_27 = arith.extui %eq3A_26 : vector<1x8xi1> to vector<1x8xi32>
    %convert_element_type3A_28 = arith.sitofp %convert_element_type3A_27 : vector<1x8xi32> to vector<1x8xf32>
    %get3A_29 = arith.constant 0 : index
    %get3A_30 = arith.constant 0 : index
    %get3A_31 = vector.load %arg5[%get3A_29, %get3A_30] : memref<1024x8xf32, #tpu.memory_space<vmem>>, vector<1024x8xf32>
    %mul3A_32 = vector.broadcast %convert_element_type3A_28 : vector<1x8xf32> to vector<1024x8xf32>
    %mul3A_33 = arith.mulf %get3A_31, %mul3A_32 : vector<1024x8xf32>
    %reduce_sum3A = arith.constant dense<0.000000e+00> : vector<1024xf32>
    %reduce_sum3A_34 = vector.multi_reduction <add>, %mul3A_33, %reduce_sum3A [1] : vector<1024x8xf32> to vector<1024xf32>
    %broadcast_in_dim3A = vector.shape_cast %reduce_sum3A_34 : vector<1024xf32> to vector<1024x1xf32>
    %get3A_35 = arith.constant 0 : index
    %get3A_36 = arith.constant 0 : index
    %get3A_37 = vector.load %arg6[%get3A_35, %get3A_36] : memref<1024x8xf32, #tpu.memory_space<vmem>>, vector<1024x8xf32>
    %mul3A_38 = vector.broadcast %convert_element_type3A_28 : vector<1x8xf32> to vector<1024x8xf32>
    %mul3A_39 = arith.mulf %get3A_37, %mul3A_38 : vector<1024x8xf32>
    %reduce_sum3A_40 = arith.constant dense<0.000000e+00> : vector<1024xf32>
    %reduce_sum3A_41 = vector.multi_reduction <add>, %mul3A_39, %reduce_sum3A_40 [1] : vector<1024x8xf32> to vector<1024xf32>
    %broadcast_in_dim3A_42 = vector.shape_cast %reduce_sum3A_41 : vector<1024xf32> to vector<1024x1xf32>
    %mul3A_43 = vector.broadcast %broadcast_in_dim3A : vector<1024x1xf32> to vector<1024x1024xf32>
    %mul3A_44 = arith.mulf %mul3A_43, %dot_general3A_25 : vector<1024x1024xf32>
    %swap3A = arith.constant 0 : index
    %swap3A_45 = arith.constant 0 : index
    %swap3A_46 = vector.load %arg7[%swap3A, %swap3A_45] : memref<1024x1024xf32, #tpu.memory_space<vmem>>, vector<1024x1024xf32>
    tpu.vector_store %arg7[%swap3A, %swap3A_45], %mul3A_44 {strides = array<i32>} : memref<1024x1024xf32, #tpu.memory_space<vmem>>, vector<1024x1024xf32>,
    %mul3A_47 = vector.broadcast %broadcast_in_dim3A_42 : vector<1024x1xf32> to vector<1024x1024xf32>
    %mul3A_48 = arith.mulf %mul3A_47, %mul3A_44 : vector<1024x1024xf32>
    %eq3A_49 = arith.constant 0 : i32
    %eq3A_50 = arith.cmpi eq, %arg1, %eq3A_49 : i32
    %convert_element_type3A_51 = arith.extui %eq3A_50 : i1 to i32
    %cond3A = arith.constant 0 : i32
    %cond3A_52 = arith.cmpi ne, %convert_element_type3A_51, %cond3A : i32
    scf.if %cond3A_52 {
      %swap3A_57 = arith.constant 0 : index
      %swap3A_58 = arith.constant 0 : index
      %swap3A_59 = vector.load %arg8[%swap3A_57, %swap3A_58] : memref<1024x1024xf32, #tpu.memory_space<vmem>>, vector<1024x1024xf32>
      tpu.vector_store %arg8[%swap3A_57, %swap3A_58], %mul3A_48 {strides = array<i32>} : memref<1024x1024xf32, #tpu.memory_space<vmem>>, vector<1024x1024xf32>,
    } else {
    }
    %gt3A = arith.constant 0 : i32
    %gt3A_53 = arith.cmpi sgt, %arg1, %gt3A : i32
    %convert_element_type3A_54 = arith.extui %gt3A_53 : i1 to i32
    %cond3A_55 = arith.constant 0 : i32
    %cond3A_56 = arith.cmpi ne, %convert_element_type3A_54, %cond3A_55 : i32
    scf.if %cond3A_56 {
      %get3A_57 = arith.constant 0 : index
      %get3A_58 = arith.constant 0 : index
      %get3A_59 = vector.load %arg8[%get3A_57, %get3A_58] : memref<1024x1024xf32, #tpu.memory_space<vmem>>, vector<1024x1024xf32>
      %add3A_60 = arith.addf %get3A_59, %mul3A_48 : vector<1024x1024xf32>
      %swap3A_61 = arith.constant 0 : index
      %swap3A_62 = arith.constant 0 : index
      %swap3A_63 = vector.load %arg8[%swap3A_61, %swap3A_62] : memref<1024x1024xf32, #tpu.memory_space<vmem>>, vector<1024x1024xf32>
      tpu.vector_store %arg8[%swap3A_61, %swap3A_62], %add3A_60 {strides = array<i32>} : memref<1024x1024xf32, #tpu.memory_space<vmem>>, vector<1024x1024xf32>,
    } else {
    }
    return
  }
  func.func @transform_0(%arg0: i32, %arg1: i32) -> (i32, i32) {
    %c0_i32 = arith.constant 0 : i32
    %c0_i32_0 = arith.constant 0 : i32
    return %arg0, %c0_i32 : i32, i32
  }
  func.func @transform_1(%arg0: i32, %arg1: i32) -> (i32, i32, i32) {
    %c0_i32 = arith.constant 0 : i32
    %c0_i32_0 = arith.constant 0 : i32
    %c0_i32_1 = arith.constant 0 : i32
    return %arg1, %c0_i32, %c0_i32_0 : i32, i32, i32
  }
  func.func @transform_2(%arg0: i32, %arg1: i32) -> (i32, i32, i32) {
    %c0_i32 = arith.constant 0 : i32
    %c0_i32_0 = arith.constant 0 : i32
    %c0_i32_1 = arith.constant 0 : i32
    return %arg1, %c0_i32, %c0_i32_0 : i32, i32, i32
  }
  func.func @transform_3(%arg0: i32, %arg1: i32) -> (i32, i32) {
    %c0_i32 = arith.constant 0 : i32
    %c0_i32_0 = arith.constant 0 : i32
    return %arg0, %c0_i32 : i32, i32
  }
  func.func @transform_4(%arg0: i32, %arg1: i32) -> (i32, i32) {
    %c0_i32 = arith.constant 0 : i32
    %c0_i32_0 = arith.constant 0 : i32
    return %arg0, %c0_i32 : i32, i32
  }
  func.func @transform_5(%arg0: i32, %arg1: i32) -> (i32, i32) {
    %c0_i32 = arith.constant 0 : i32
    return %arg0, %arg1 : i32, i32
  }
  func.func @transform_6(%arg0: i32, %arg1: i32) -> (i32, i32) {
    %c0_i32 = arith.constant 0 : i32
    %c0_i32_0 = arith.constant 0 : i32
    return %arg0, %c0_i32 : i32, i32
  }
}

</mosaic_0001>

<sc_bundles>
// kernel: sparse-core-data-format-call.cloned.1.call-start
scs
called_computation_lowered:
.L_overlay_start_0:
0x0: {  	s2 =	sld [smem:$0x3FD9]  }
0x1: {  	s3 =	sld [smem:$0x3FFE];
	_ =	sdelay $0x1  }
0x2: {  	s1 =	srdreg.scid  }
0x3: {  	s0 =	sand.u32 $0x1, s1  }
0x4: {  	s15 =	sshll.u32 s0, $0xA;
	s2 =	sadd.s32 s3, s2  }
0x5: {  	s2 =	sadd.s32 s2, s15  }
0x6: {  	[smem:$0x3FC3] =	sst s2  }
0x7: {  	_ = 	snop  }
0x8: {  	s2 =	sld [smem:$0x3FD0];
	_ =	sdelay $0x2  }
0x9: {  	s16 =	simm.s32 $0xA;
	s4 =	simm.s32 $0x10  }
0xa: {  	[smem:s4], [sflag:s16] =	dma.local [hbm:s2], $0x1  }
0xb: {  	_ =	swait.eq [sflag:s16], $0x1  }
0xc: {  	[sflag:s16] =	ssyncset.done $0x0  }
0xd: {  	[sflag:s16] =	ssyncadd.s32 $0xFFFFFFFF  }
0xe: {  	s17 =	sld [smem:$0x11];
	(tm) =	ssettm $0x1  }
0xf: {  	s18 =	sld [smem:$0x3FFB];
	_ =	sdelay $0x3  }
0x10: {  	_ =	strace s18  }
0x11: {  	s3 =	sld [smem:$0x3FFC];
	_ =	sdelay $0x3  }
0x12: {  	_ =	strace s3  }
0x13: {  	s3 =	sld [smem:$0x3FFD];
	_ =	sdelay $0x3  }
0x14: {  	_ =	strace s3  }
0x15: {  	_ =	strace $0x8FFFFFFF  }
0x16: {  	s19 =	sld [smem:$0x3FDB];
	_ =	sdelay $0x1  }
0x17: {  	s20 =	simm.s32 $_scs_section_size  }
0x18: {  	s5 =	simm.s32 $_size__tile_overlayer_lowered;
	s6 =	simm.s32 $_tile_overlayer_lowered  }
0x19: {  	s23 =	simm.s32 $0x1BFF;
	s22 =	sshll.u32 s6, $0x1;
	s3 =	sadd.s32 s20, s19  }
0x1a: {  	s7 =	simm.s32 $0x0;
	s21 =	sshll.u32 s5, $0x1;
	s5 =	sadd.s32 s22, s3  }
0x1b: {  	[timem:s7], [sflag:s23] =	dma.local [hbm:s5], s21  }
0x1c: {  	_ =	swait.ge [sflag:s23], s21  }
0x1d: {  	s4 =	ssub.s32 $0x0, s21;
	[sflag:s23] =	ssyncset.done $0x0  }
0x1e: {  	[sflag:s23] =	ssyncadd.s32 s4;
	_ =	sdelay $0x1  }
0x1f: {  	s24 =	simm.s32 $0x1B8B  }
0x20: {  	_ =	swait.ge [sflag:s24], $0x1  }
0x21: {  	[sflag:s24] =	ssyncset.done $0x0  }
0x22: {  	s26 =	simm.s32 $0x1B8E;
	s25 =	sld [smem:$0x3FFE];
	[sflag:s24] =	ssyncadd.s32 $0xFFFFFFFF  }
0x23: {  	s27 =	simm.s32 $execute0_lowered;
	[smem:$0x3FD2] =	sst s26  }
0x24: {  	s5 =	sshll.u32 s27, $0x1;
	_ =	strace $0x80000046;
	[dreg:$0x1] =	wrdreg $0xFFFFFFFF  }
0x25: {  	s28 =	simm.s32 $_size_execute0_lowered;
	s3 =	sadd.s32 s3, s5;
	[dreg:$0x0] =	wrdreg $0x0  }
0x26: {  	s5 =	sshll.u32 s28, $0x1;
	[dreg:$0x2] =	wrdreg s3  }
0x27: {  	[dreg:$0x3] =	wrdreg s5  }
0x28: {  	[dreg:$0x4] =	wrdreg $0xC0  }
0x29: {  	_ =	task [dreg:s7], $0x5FFFF  }
0x2a: {  	[dreg:$0x1] =	wrdreg $0xFFFFFFFF  }
0x2b: {  	[dreg:$0x0] =	wrdreg $0x60  }
0x2c: {  	[dreg:$0x2] =	wrdreg s25  }
0x2d: {  	[dreg:$0x3] =	wrdreg s17  }
0x2e: {  	[dreg:$0x4] =	wrdreg $0x9  }
0x2f: {  	_ =	task.clear_ibuf [dreg:s7], $0x5FFFF;
	_ =	strace $0x90000046  }
0x30: {  	s29 =	simm.s32 $0x9;
	_ =	strace $0x80000048  }
0x31: {  	_ =	swait.ge [sflag:s29], $0x1  }
0x32: {  	[sflag:s29] =	ssyncadd.s32 $0xFFFFFFFF  }
0x33: {  	_ =	strace $0x90000048  }
0x34: {  	_ =	sfence  }
0x35: {  	s30 =	sld [smem:$0x0];
	_ =	sdelay $0x2  }
0x36: {  	s31 =	sshll.u32 s1, $0xD;
	s1 =	sshrl.u32 s1, $0x2  }
0x37: {  	s3 =	sand.u32 $0x4000, s31;
	s1 =	sadd.s32 s1, s30  }
0x38: {  	s0 =	sor.u32 s3, s0;
	s1 =	sshll.u32 s1, $0x11  }
0x39: {  	s0 =	sor.u32 s1, s0  }
0x3a: {  	s0 =	sadd.s32 $0x8F2B, s0  }
0x3b: {  	[sflag:s0] =	ssyncadd.remote.s32 $0x1  }
0x3c: {  	_ =	sfence.sel $0xFFFF  }
0x3d: {  	[dreg:$0x0] =	wrdreg $0xFFFFFFFF;
	(pc) =	sbr.abs _section_cstart, $3  }
0x3e: {  	[dreg:$0x1] =	wrdreg $0xFFFFFFFF  }
0x3f: {  	_ =	task.clear_ibuf [dreg:s7], $0x2FFFF;
	_ =	strace $0x9FFFFFFF  }
0x40: {  	(tm) =	ssettm $0x7FFFFFFF  }
0x41: {  	_ =	shalt  }
tec
execute0_lowered:
.L_overlay_start_1:
0x0: {  	(tag) =	ssettag $0x1  }
0x1: {  	s1 =	rddreg [dreg:$0x0]  }
0x2: {  	s2 =	rddreg [dreg:$0x1]  }
0x3: {  	s0 =	rddreg [dreg:$0x2]  }
0x4: {  	_ =	strace $0x80000047;
	s4 =	srdreg.scid;
	s6 =	simm.s32 $0x2  }
0x5: {  	s12 =	simm.s32 $0x0;
	p0 =	por $0x0, $0x0;
	s13 =	simm.s32 $0x0  }
0x6: {  	s15 =	simm.s32 $0x0;
	s14 =	simm.s32 $0x0;
	s8 =	simm.s32 $0x0  }
.Ltmp0:
0x7: {  	s9 =	simm.s32 $0x0;
	s10 =	simm.s32 $0x0;
	(pc) =	sbr.rel .LBB1_1-.Ltmp0, $4  }
0x8: {  	s7 =	simm.s32 $0x0;
	s3 =	sadd.s32 $0x400, s1;
	s5 =	sshll.u32 s4, $0x4  }
0x9: {  	s1 =	stileid.u32;
	s4 =	simm.s32 $0x1;
	s5 =	sand.u32 $0x10, s5  }
0xa: {  	s21 =	simm.s32 $0x0;
	[sflag:s4] =	ssyncpa.u1 $0x0;
	s5 =	sor.u32 s1, s5  }
0xb: {  	[sflag:s6] =	ssyncpa.u1 $0x0;
	s6 =	simm.s32 $0x2000;
	s11 =	smov.u32 s5  }
.LBB1_7:
0xc: {  	s16 =	sadd.s32 $0x100, s8  }
0xd: {  	s12 =	sadd.s32 $0x8, s9;
	s17 =	smov.u32 s9;
	p2 =	sgt.s32 s16, $0x3FF  }
0xe: {  	s17 =	smov.u32 @p2 s12  }
0xf: {  	s18 =	smov.u32 s10;
	s12 =	sadd.s32 $0x8, s10;
	p3 =	sgt.s32 s17, $0x7  }
0x10: {  	s18 =	smov.u32 @p3 s12  }
0x11: {  	s19 =	smov.u32 s11;
	s12 =	sadd.s32 $0x20, s11;
	p4 =	sgt.s32 s18, $0x7  }
0x12: {  	p1 =	slt.u32 s7, $0x2;
	s19 =	smov.u32 @p4 s12  }
0x13: {  	s7 =	sadd.s32 $0x1, s7;
	s16 =	simm.s32 @p2 $0x0;
	p2 =	sgt.s32 s19, $0xFF  }
0x14: {  	s20 =	simm.s32 @!p1 $0x2;
	s19 =	smov.u32 @p2 s5;
	p2 =	sne.s32 s7, $0x22  }
.Ltmp1:
0x15: {  	s13 =	smov.u32 s9;
	_ =	swait.ge @!p1 [sflag:s20], $0x4000;
	(pc) =	sbr.rel @!p2 .LBB1_8-.Ltmp1, $4  }
0x16: {  	s15 =	smov.u32 s10;
	s14 =	smov.u32 s11;
	[sflag:s20] =	ssyncset.done @!p1 $0x0  }
0x17: {  	p0 =	por !p0, !p0;
	s17 =	simm.s32 @p3 $0x0;
	[sflag:s20] =	ssyncadd.s32 @!p1 $0xFFFFC000  }
0x18: {  	s9 =	smov.u32 s17;
	s18 =	simm.s32 @p4 $0x0;
	s12 =	smov.u32 s8  }
0x19: {  	s8 =	smov.u32 s16;
	s10 =	smov.u32 s18;
	s11 =	smov.u32 s19  }
.LBB1_1:
0x1a: {  	p1 =	sgt.u32 s7, $0x1F  }
0x1b: {  	s16 =	sxor.u32 @!p1 $0xFFFFFFFF, s7  }
0x1c: {  	s17 =	sshll.u32 @!p1 s9, $0x7;
	s18 =	sand.u32 @!p1 $0x78, s8;
	s19 =	sshll.u32 @!p1 s11, $0xD  }
0x1d: {  	s20 =	sand.u32 @!p1 $0x380, s8;
	s16 =	sshll.u32 @!p1 s16, $0xE;
	s17 =	sand.u32 @!p1 $0x380, s17  }
0x1e: {  	s19 =	sadd.s32 @!p1 s3, s19;
	s17 =	sor.u32 @!p1 s18, s17;
	s18 =	sshll.u32 @!p1 s10, $0xA  }
0x1f: {  	s16 =	sand.u32 @!p1 $0x4000, s16;
	s18 =	sadd.s32 @!p1 s18, s19;
	s19 =	sand.u32 @!p1 $0x7, s8  }
0x20: {  	s17 =	sshrl.u32 @!p1 s17, $0x3;
	s18 =	sadd.s32 @!p1 s20, s18;
	s19 =	sshll.u32 @!p1 s19, $0x12  }
0x21: {  	s17 =	sadd.s32 @!p1 s17, s18;
	s18 =	sor.u32 @!p1 $0x800, s19;
	s19 =	simm.s32 @!p1 $0x2000  }
0x22: {  	[tilespmem:s16], [sflag:$0x1] =	stream.strided.gather @!p1 [hbm4b:s17+s18], $0x4000, s19, s18, $0x38;
	[tilespmem:$0x10000] =	vst v63  }
0x23: {  	p1 =	seq.s32 s7, $0x0  }
0x24: {  	p2 =	seq.s32 @!p1 s7, $0x21  }
0x25: {  	p1 =	por p1, p2  }
.Ltmp2:
0x26: {  	_ = 	snop;
	(pc) =	sbr.rel @p1 .LBB1_7-.Ltmp2, $1  }
0x27: {  	_ =	sdelay $0x3  }
0x28: {  	s16 =	simm.s32 $0x1  }
0x29: {  	_ =	swait.ge [sflag:s4], $0x4000;
	s31 =	sshll.u32 s7, $0xE;
	p1 =	por $0x0, $0x0  }
0x2a: {  	s22 =	simm.s32 $0x0;
	s23 =	simm.s32 $0x0;
	s16 =	simm.s32 @!p0 $0x0  }
0x2b: {  	[sflag:s4] =	ssyncset.done $0x0;
	s19 =	sand.u32 $0x4000, s31;
	s16 =	sshll.u32 s16, $0x10  }
0x2c: {  	[sflag:s4] =	ssyncadd.s32 $0xFFFFC000;
	s20 =	sshrl.u32 s16, $0x2;
	s16 =	sor.u32 $0x8000, s19  }
0x2d: {  	s17 =	sor.u32 $0x40, s20;
	s18 =	sor.u32 $0x8410, s20;
	s20 =	sadd.s32 $0x8400, s20  }
.LBB1_3:
0x2e: {  	v1 =	vld [tilespmem:s17+$0xFFFFFFD0]  }
0x2f: {  	v2 =	vld [tilespmem:s17+$0x430]  }
0x30: {  	s24 =	sshll.u32 s23, $0xB;
	v4 =	vld [tilespmem:s17+$0xFFFFFFE0]  }
0x31: {  	v7 =	vld [tilespmem:s17+$0xFFFFFFF0];
	v0 =	vmov s24  }
0x32: {  	v8 =	vld [tilespmem:s17+$0x0]  }
0x33: {  	s30 =	sand.u32 $0x300, s21;
	v9 =	vld [tilespmem:s17+$0x10]  }
0x34: {  	s25 =	sand.u32 $0x80, s21;
	v10 =	vld [tilespmem:s17+$0x20];
	s24 =	sadd.s32 s30, s19  }
0x35: {  	v11 =	vld [tilespmem:s17+$0x30];
	s24 =	sadd.s32 s25, s24;
	s25 =	simm.s32 $0x1;
	[tilespmem:s18+$0x60] =	vst v2  }
0x36: {  	s31 =	sshll.u32 s22, $0x2;
	s25 =	simm.s32 @!p1 $0x0;
	[tilespmem:s18+$0xFFFFFC00] =	vst v1;
	v3 =	vld.idx.msk [tilespmem:v0+s24+$0x400 ss:$0x1], $0xffff  }
0x37: {  	v6 =	vld [tilespmem:s17+$0x3D0];
	s25 =	sshll.u32 s25, $0x9;
	[tilespmem:s18+$0xFFFFFC10] =	vst v4;
	s24 =	sand.u32 $0xFFFFFC00, s31  }
0x38: {  	v5 =	vld [tilespmem:s17+$0x3E0];
	[tilespmem:s18+$0xFFFFFC20] =	vst v7;
	s24 =	sor.u32 s25, s24  }
0x39: {  	[tilespmem:s18+$0xFFFFFC30] =	vst v8;
	v4 =	vld [tilespmem:s17+$0x400];
	s24 =	sshrl.u32 s24, $0x2  }
0x3a: {  	[tilespmem:s18+$0xFFFFFC40] =	vst v9;
	v1 =	vld [tilespmem:s17+$0x410];
	s24 =	sadd.s32 s24, s20  }
0x3b: {  	[tilespmem:s24+$0x0] =	vst v3;
	v3 =	vld [tilespmem:s17+$0x3F0]  }
0x3c: {  	s28 =	simm.s32 $0x80;
	s27 =	simm.s32 $0x100;
	[tilespmem:s18+$0xFFFFFC50] =	vst v10;
	v2 =	vld [tilespmem:s17+$0x420]  }
0x3d: {  	s26 =	smov.u32 s18;
	s29 =	sand.u32 $0x300, s28;
	v7 =	vld [tilespmem:s17+$0xFFFFFFC0];
	[tilespmem:s18+$0xFFFFFC60] =	vst v11;
	s25 =	sadd.s32 $0x80, s17  }
.LBB1_4:
0x3e: {  	p2 =	sne.s32 s27, $0x380;
	v8 =	vld [tilespmem:s25+$0xFFFFFFD0];
	s28 =	sand.u32 $0x80, s28;
	s29 =	sadd.s32 s29, s19;
	[tilespmem:s26+$0x0] =	vst v6  }
0x3f: {  	s29 =	sadd.s32 s28, s29;
	v6 =	vld [tilespmem:s25+$0x430];
	[tilespmem:s26+$0x10] =	vst v5;
	s28 =	smov.u32 s27  }
0x40: {  	v5 =	vld.idx.msk [tilespmem:v0+s29+$0x400 ss:$0x1], $0xffff;
	[tilespmem:s26+$0x20] =	vst v3  }
0x41: {  	v3 =	vld [tilespmem:s25+$0xFFFFFFE0];
	[tilespmem:s26+$0x30] =	vst v4  }
0x42: {  	v4 =	vld [tilespmem:s25+$0xFFFFFFF0];
	[tilespmem:s26+$0xFFFFFBF0] =	vst v7  }
0x43: {  	v7 =	vld [tilespmem:s25+$0x0];
	[tilespmem:s26+$0x40] =	vst v1  }
0x44: {  	v1 =	vld [tilespmem:s25+$0x10];
	[tilespmem:s26+$0x50] =	vst v2;
	s26 =	sadd.s32 $0x800, s26  }
0x45: {  	s24 =	sadd.s32 $0x800, s24;
	v2 =	vld [tilespmem:s25+$0x20];
	[tilespmem:s26+$0x60] =	vst v6  }
0x46: {  	v9 =	vld [tilespmem:s25+$0x30];
	[tilespmem:s24+$0x0] =	vst v5  }
0x47: {  	[tilespmem:s26+$0xFFFFFC00] =	vst v8;
	v6 =	vld [tilespmem:s25+$0x3D0]  }
0x48: {  	[tilespmem:s26+$0xFFFFFC10] =	vst v3;
	v5 =	vld [tilespmem:s25+$0x3E0]  }
.Ltmp3:
0x49: {  	[tilespmem:s26+$0xFFFFFC20] =	vst v4;
	v3 =	vld [tilespmem:s25+$0x3F0];
	(pc) =	sbr.rel @p2 .LBB1_4-.Ltmp3, $4  }
0x4a: {  	[tilespmem:s26+$0xFFFFFC30] =	vst v7;
	v4 =	vld [tilespmem:s25+$0x400]  }
0x4b: {  	[tilespmem:s26+$0xFFFFFC40] =	vst v1;
	v1 =	vld [tilespmem:s25+$0x410]  }
0x4c: {  	[tilespmem:s26+$0xFFFFFC50] =	vst v2;
	v2 =	vld [tilespmem:s25+$0x420]  }
0x4d: {  	s27 =	sadd.s32 $0x80, s27;
	s29 =	sand.u32 $0x300, s28;
	v7 =	vld [tilespmem:s25+$0xFFFFFFC0];
	[tilespmem:s26+$0xFFFFFC60] =	vst v9;
	s25 =	sadd.s32 $0x80, s25  }
0x4e: {  	[tilespmem:s26+$0x0] =	vst v6  }
0x4f: {  	[tilespmem:s26+$0x10] =	vst v5  }
0x50: {  	v49 =	vld [tilespmem:s25+$0x430];
	[tilespmem:s26+$0x20] =	vst v3  }
0x51: {  	v50 =	vld [tilespmem:s25+$0xFFFFFFD0];
	[tilespmem:s26+$0x30] =	vst v4  }
0x52: {  	v51 =	vld [tilespmem:s25+$0xFFFFFFE0];
	[tilespmem:s26+$0x40] =	vst v1  }
0x53: {  	v52 =	vld [tilespmem:s25+$0xFFFFFFF0];
	[tilespmem:s26+$0x50] =	vst v2  }
0x54: {  	s31 =	sadd.s32 $0x800, s26;
	v53 =	vld [tilespmem:s25+$0x0];
	[tilespmem:s26+$0xFFFFFBF0] =	vst v7  }
0x55: {  	v54 =	vld [tilespmem:s25+$0x10];
	[tilespmem:s31+$0x60] =	vst v49  }
0x56: {  	v55 =	vld [tilespmem:s25+$0x20];
	[tilespmem:s31+$0xFFFFFC00] =	vst v50  }
0x57: {  	v56 =	vld [tilespmem:s25+$0x30];
	[tilespmem:s31+$0xFFFFFC10] =	vst v51  }
0x58: {  	v57 =	vld [tilespmem:s25+$0x3D0];
	[tilespmem:s31+$0xFFFFFC20] =	vst v52  }
0x59: {  	v58 =	vld [tilespmem:s25+$0x3E0];
	[tilespmem:s31+$0xFFFFFC30] =	vst v53  }
0x5a: {  	v59 =	vld [tilespmem:s25+$0x3F0];
	[tilespmem:s31+$0xFFFFFC40] =	vst v54  }
0x5b: {  	v60 =	vld [tilespmem:s25+$0x400];
	[tilespmem:s31+$0xFFFFFC50] =	vst v55  }
0x5c: {  	v61 =	vld [tilespmem:s25+$0xFFFFFFC0];
	[tilespmem:s31+$0xFFFFFC60] =	vst v56  }
0x5d: {  	s27 =	sand.u32 $0x80, s28;
	s30 =	sadd.s32 s29, s19;
	v62 =	vld [tilespmem:s25+$0x410];
	[tilespmem:s31+$0x0] =	vst v57  }
0x5e: {  	v63 =	vld [tilespmem:s25+$0x420];
	s23 =	sadd.s32 $0x1, s23;
	s27 =	sadd.s32 s27, s30;
	[tilespmem:s31+$0x10] =	vst v58  }
0x5f: {  	p2 =	sne.s32 s23, $0x8;
	v0 =	vld.idx.msk [tilespmem:v0+s27+$0x400 ss:$0x1], $0xffff;
	[tilespmem:s31+$0x20] =	vst v59  }
.Ltmp4:
0x60: {  	[tilespmem:s31+$0x30] =	vst v60;
	(pc) =	sbr.rel @p2 .LBB1_3-.Ltmp4, $4  }
0x61: {  	[tilespmem:s31+$0xFFFFFBF0] =	vst v61  }
0x62: {  	[tilespmem:s31+$0x40] =	vst v62  }
0x63: {  	s24 =	sadd.s32 $0x800, s24;
	s17 =	sadd.s32 $0x800, s17;
	[tilespmem:s31+$0x50] =	vst v63  }
0x64: {  	s22 =	sadd.s32 $0x80, s22;
	p1 =	por !p1, !p1;
	s18 =	sadd.s32 $0x80, s18;
	[tilespmem:s24+$0x0] =	vst v0  }
0x65: {  	s15 =	sshll.u32 s15, $0x7;
	s17 =	sand.u32 $0x78, s12  }
0x66: {  	s14 =	sshll.u32 s14, $0xD;
	s13 =	sshll.u32 s13, $0xA;
	s29 =	sand.u32 $0x380, s12  }
.Ltmp5:
0x67: {  	s15 =	sand.u32 $0x380, s15;
	s14 =	sadd.s32 s2, s14;
	(pc) =	sbr.rel .LBB1_7-.Ltmp5, $4  }
0x68: {  	s30 =	sand.u32 $0x7, s12;
	s15 =	sor.u32 s15, s17;
	s13 =	sadd.s32 s13, s14  }
0x69: {  	s12 =	sshll.u32 s30, $0x12;
	s31 =	sshrl.u32 s15, $0x3;
	s13 =	sadd.s32 s29, s13  }
0x6a: {  	s12 =	sor.u32 $0x800, s12;
	s13 =	sadd.s32 s31, s13  }
0x6b: {  	[hbm4b:s13+s12] =	stream.strided.scatter [tilespmem:s16], [sflag:$0x2], $0x4000, s6, s12, $0x38;
	[tilespmem:$0x10000] =	vst v63  }
.LBB1_8:
0x6c: {  	_ =	sfence.sel $0x180000  }
0x6d: {  	s2 =	simm.s32 $0x1;
	[bflag:$0x0] =	sbarrier.arrive $0xFFFF  }
0x6e: {  	s31 =	simm.s32 $0x2;
	[sflag:s2] =	ssyncpa.u1 $0x1  }
0x6f: {  	[sflag:s31] =	ssyncpa.u1 $0x1  }
0x70: {  	p0 =	sne.s32 s1, $0x0;
	_ =	strace $0x90000047  }
0x71: {  	s0 =	sadd.s32 @!p0 $0x100000, s0;
	[bflag:$0x2] =	sbarrier.arrive $0xFFFF  }
0x72: {  	[sflag:s0] =	ssyncadd.tile.s32 @!p0 $0x1;
	_ =	shalt  }
.Lfunc_end1:
_tile_overlayer_lowered:
.L_overlay_start_2:
0x73: {  	(tag) =	ssettag $0x2  }
0x74: {  	s0 =	rddreg [dreg:$0x0];
	s2 =	stileid.u32  }
0x75: {  	s1 =	rddreg [dreg:$0x1];
	p0 =	sne.s32 s2, $0x0  }
0x76: {  	s3 =	rddreg [dreg:$0x2];
	[bflag:$0x3] =	sbarrier.arrive $0xFFFF;
	s2 =	simm.s32 @!p0 $0x1C01  }
0x77: {  	[timem:s3], [sflag:s2] =	dma.local @!p0 [hbm:s0], s1  }
0x78: {  	s0 =	simm.s32 @!p0 $0x1  }
0x79: {  	_ =	swait.ge @!p0 [sflag:s0], s1  }
0x7a: {  	s1 =	ssub.s32 @!p0 $0x0, s1;
	[sflag:s0] =	ssyncset.done @!p0 $0x0  }
0x7b: {  	[sflag:s0] =	ssyncadd.s32 @!p0 s1  }
0x7c: {  	[bflag:$0x3] =	sbarrier.arrive $0xFFFF  }
0x7d: {  	_ =	shalt  }

</sc_bundles>
